<compile_context>
chip_gen: v7x
topology: tpu7x:2x2x1
jax: 0.10.2.dev20260603
libtpu: 0.0.44.dev20260713+nightly
codegen_flags: <defaults>
</compile_context>

<pallas_src>
import jax
import jax.numpy as jnp
from jax.experimental import pallas as pl

B = 2
C = 96
EN = 8
SDEG = 3
HH = 224
WW = 224
WP = 256
NPIX = HH * WW
LPAD = HH * WP
RCH = 16
TCH = HH // RCH
SUMCH = 1024
NSUM = NPIX // SUMCH


def _sums_kernel(x_ref, o_ref):
    @pl.when(pl.program_id(0) == 0)
    def _init():
        o_ref[...] = jnp.zeros_like(o_ref)

    o_ref[...] += jnp.sum(x_ref[...], axis=1, keepdims=True)


def _gate_kernel(sums_ref, wg_ref, s_ref, loss_ref):
    gx = sums_ref[...] * (1.0 / NPIX)
    logits = jnp.dot(gx, wg_ref[...],
                     preferred_element_type=jnp.float32)
    m = jnp.max(logits, axis=1, keepdims=True)
    ex = jnp.exp(logits - m)
    p = ex / jnp.sum(ex, axis=1, keepdims=True)
    lane = jax.lax.broadcasted_iota(jnp.int32, p.shape, 1)
    v1 = jnp.max(p, axis=1, keepdims=True)
    i1 = jnp.min(jnp.where(p == v1, lane, EN), axis=1, keepdims=True)
    m1 = lane == i1
    pm = jnp.where(m1, -jnp.inf, p)
    v2 = jnp.max(pm, axis=1, keepdims=True)
    i2 = jnp.min(jnp.where(pm == v2, lane, EN), axis=1, keepdims=True)
    m2 = lane == i2
    tot = v1 + v2
    denom = tot + 1e-6
    gates = (jnp.where(m1, v1, 0.0) + jnp.where(m2, v2, 0.0)) / denom
    s_ref[...] = tot / denom
    imp = jnp.sum(gates, axis=0, keepdims=True)
    load = jnp.sum((gates > 0.0).astype(jnp.float32), axis=0, keepdims=True)

    def cv2(v):
        mu = jnp.sum(v, axis=1, keepdims=True) / EN
        var = jnp.sum((v - mu) ** 2, axis=1, keepdims=True) / (EN - 1)
        return var / (mu * mu + 1e-10)

    loss_ref[...] = (cv2(imp) + cv2(load)) * 0.01


def _conv_kernel(cb_ref, s_ref, xp_ref, xc_ref, xn_ref, wt_ref, o_ref):
    i = pl.program_id(1)
    c2 = cb_ref[:, 0:1]
    c3 = cb_ref[:, 1:2]
    xall = jnp.concatenate(
        [xp_ref[0], xc_ref[0], xn_ref[0]], axis=1)
    L = (RCH + 2) * WP
    t = jnp.tanh(xall)
    p2 = t * t - c2
    p3 = t * (p2 - c3)
    gi = jnp.concatenate([t, p2, p3], axis=0)
    gi = gi * jax.nn.sigmoid(gi)
    lane = jax.lax.broadcasted_iota(jnp.int32, (1, L), 1)
    grow = i * RCH - 1 + lane // WP
    valid = (grow >= 0) & (grow < HH) & (lane % WP < WW)
    c0 = 1.0 / (1.0 + 2.718281828459045 ** -1.0)
    g = jnp.concatenate(
        [jnp.broadcast_to(jnp.float32(c0), (C, L)), gi], axis=0)
    g = jnp.where(valid, g, 0.0).astype(jnp.bfloat16)
    zero = jnp.bfloat16(0.0)
    gm = jnp.where(lane == 0, zero, pltpu_roll(g, 1))
    gp = jnp.where(lane == L - 1, zero, pltpu_roll(g, -1))
    acc = jnp.zeros((C, RCH * WP), jnp.float32)
    for ky in range(3):
        base = ky * WP
        for kx, gg in ((0, gm), (1, g), (2, gp)):
            w = wt_ref[ky, kx]
            acc = acc + jax.lax.dot_general(
                w, gg[:, base:base + RCH * WP],
                (((1,), (0,)), ((), ())),
                preferred_element_type=jnp.float32)
    o_ref[0] = acc * s_ref[pl.ds(pl.program_id(0), 1), :]


def pltpu_roll(v, shift):
    return jnp.roll(v, shift, axis=1)


def _betac(n, m, bw):
    return (m + n) * (m - n) * n ** 2 / (m ** 2 / (4.0 * n ** 2 - 1.0)) * bw[n]


def kernel(x, poly_weights, beta_weights, w_gate):
    x = x.astype(jnp.float32)
    sums = pl.pallas_call(
        _sums_kernel,
        grid=(NSUM,),
        in_specs=[pl.BlockSpec((B * C, SUMCH), lambda i: (0, i))],
        out_specs=pl.BlockSpec((B * C, 1), lambda i: (0, 0)),
        out_shape=jax.ShapeDtypeStruct((B * C, 1), jnp.float32),
    )(x.reshape(B * C, NPIX))

    s, loss = pl.pallas_call(
        _gate_kernel,
        out_shape=(
            jax.ShapeDtypeStruct((B, 1), jnp.float32),
            jax.ShapeDtypeStruct((1, 1), jnp.float32),
        ),
    )(sums.reshape(B, C), w_gate)

    xpad = jnp.pad(x.reshape(B, C, HH, WW),
                   ((0, 0), (0, 0), (0, 0), (0, WP - WW))).reshape(B, C, LPAD)
    wt = jnp.transpose(poly_weights[0], (2, 3, 0, 1)).astype(jnp.bfloat16)
    cb = jnp.stack([_betac(1, 2, beta_weights),
                    _betac(2, 3, beta_weights)]).reshape(1, 2)

    yflat = pl.pallas_call(
        _conv_kernel,
        grid=(B, TCH),
        in_specs=[
            pl.BlockSpec((1, 2), lambda b, i: (0, 0)),
            pl.BlockSpec((B, 1), lambda b, i: (0, 0)),
            pl.BlockSpec((1, C, WP),
                         lambda b, i: (b, 0, jnp.maximum(i * RCH - 1, 0))),
            pl.BlockSpec((1, C, RCH * WP), lambda b, i: (b, 0, i)),
            pl.BlockSpec((1, C, WP),
                         lambda b, i: (b, 0, jnp.minimum(i * RCH + RCH, HH - 1))),
            pl.BlockSpec((3, 3, C, 4 * C), lambda b, i: (0, 0, 0, 0)),
        ],
        out_specs=pl.BlockSpec((1, C, RCH * WP), lambda b, i: (b, 0, i)),
        out_shape=jax.ShapeDtypeStruct((B, C, LPAD), jnp.float32),
    )(cb, s, xpad, xpad, xpad, wt)

    y = yflat.reshape(B, C, HH, WP)[:, :, :, :WW]
    return (y, jnp.reshape(loss, ()))

# --- scband reference (transcript-rebuilt; emitter-appended) ---
"""Pipeline reference for scband-kagnmo-e-70866960384513 (READ-ONLY COPY).

The authoritative reference and input builder live on the scoring server;
editing this copy changes nothing except your own understanding.
"""

import jax, jax.numpy as jnp
import numpy as np

E = 8
K = 2
S = 3
CIN = 96
COUT = 96
B = 2
H = 224
W = 224


def setup_inputs(seed: int = 0) -> dict:
    key = jax.random.key(seed)
    k1, k2, k3, k4 = jax.random.split(key, 4)
    x = jax.random.normal(k1, (B, CIN, H, W), dtype=jnp.float32)
    # poly_weights shape (groups=1, out, in*(S+1), kh, kw); kaiming_uniform(nonlinearity='linear')
    fan_in = COUT * (CIN * (S + 1)) * 3 * 3
    bound = (3.0 / fan_in) ** 0.5
    poly_weights = jax.random.uniform(k2, (1, COUT, CIN * (S + 1), 3, 3), minval=-bound, maxval=bound, dtype=jnp.float32)
    beta_std = 1.0 / ((3 + 3) / (2 ** 2) * CIN * (S + 1.0))
    beta_weights = jax.random.normal(k3, (S + 1,), dtype=jnp.float32) * beta_std
    # w_gate is zeros in torch init; small random used so gating is non-degenerate
    w_gate = jax.random.normal(k4, (CIN, E), dtype=jnp.float32) * 0.01
    return {"x": x, "poly_weights": poly_weights, "beta_weights": beta_weights, "w_gate": w_gate}


def _cv_squared(v):
    v = v.astype(jnp.float32)
    if v.shape[0] == 1:
        return jnp.float32(0.0)
    return jnp.var(v, ddof=1) / (jnp.mean(v) ** 2 + 1e-10)


def _beta(n, m, bw):
    return (m + n) * (m - n) * n ** 2 / (m ** 2 / (4.0 * n ** 2 - 1.0)) * bw[n]


def _expert_forward(x, poly_weights, beta_weights):
    # KAGNExpert.forward_kag (groups=1 -> single group)
    xt = jnp.tanh(x)
    P0 = jnp.ones_like(xt)
    P1 = xt
    basis = [P0, P1]
    for i in range(2, S + 1):
        P2 = xt * P1 - _beta(i - 1, i, beta_weights) * P0
        basis.append(P2)
        P0, P1 = P1, P2
    g = jnp.concatenate(basis, axis=1)
    g = jax.nn.silu(g)  # base_activation = SiLU
    y = jax.lax.conv_general_dilated(
        g, poly_weights[0], window_strides=(1, 1), padding=((1, 1), (1, 1)),
        dimension_numbers=("NCHW", "OIHW", "NCHW"))
    return y


def reference(x, poly_weights, beta_weights, w_gate):
    # gating path (eval mode: no noise)
    gate_x = jnp.mean(x, axis=(2, 3))  # AdaptiveAvgPool2d(1) + flatten
    clean_logits = gate_x @ w_gate
    logits = jax.nn.softmax(clean_logits, axis=1)
    top_logits, top_indices = jax.lax.top_k(logits, min(K + 1, E))
    top_k_logits = top_logits[:, :K]
    top_k_indices = top_indices[:, :K]
    top_k_gates = top_k_logits / (jnp.sum(top_k_logits, axis=1, keepdims=True) + 1e-6)
    Bn = logits.shape[0]
    gates = jnp.zeros_like(logits).at[jnp.arange(Bn)[:, None], top_k_indices].set(top_k_gates)
    load = jnp.sum((gates > 0).astype(jnp.float32), axis=0)
    importance = jnp.sum(gates, axis=0)
    loss = (_cv_squared(importance) + _cv_squared(load)) * 0.01
    # all experts in the ModuleList alias the SAME module (shared weights), so the
    # dispatch/combine reduces to expert(x) scaled by the per-sample gate sum
    expert_out = _expert_forward(x, poly_weights, beta_weights)
    y = expert_out * jnp.sum(gates, axis=1)[:, None, None, None]
    return (y, loss)

if __name__ == "__main__":
    import jax
    _d = setup_inputs()
    print(jax.jit(kernel)(*tuple(_d.values())))

</pallas_src>

<mosaic_0001>
module attributes {stable_mosaic.version = 14 : i64} {
  func.func @_sums_kernel(%arg0: i32, %arg1: memref<192x1024xf32, #tpu.memory_space<vmem>>, %arg2: memref<192x1xf32, #tpu.memory_space<vmem>>) attributes {dimension_semantics = [#tpu.dimension_semantics<arbitrary>], iteration_bounds = array<i64: 49>, scalar_prefetch = 0 : i64, scratch_operands = 0 : i64, tpu.core_type = #tpu.core_type<tc>, window_params = [{transform_indices = @transform_0, window_bounds = array<i64: 192, 1024>}, {pipeline_mode = #tpu.pipeline_mode<synchronous>, transform_indices = @transform_1, window_bounds = array<i64: 192, 1>}]} {
    %eq3A = arith.constant 0 : i32
    %eq3A_0 = arith.cmpi eq, %arg0, %eq3A : i32
    %convert_element_type3A = arith.extui %eq3A_0 : i1 to i32
    %cond3A = arith.constant 0 : i32
    %cond3A_1 = arith.cmpi ne, %convert_element_type3A, %cond3A : i32
    scf.if %cond3A_1 {
      %broadcast_in_dim3A_10 = arith.constant 0.000000e+00 : f32
      %broadcast_in_dim3A_11 = vector.broadcast %broadcast_in_dim3A_10 : f32 to vector<192x1xf32>
      %swap3A_12 = arith.constant 0 : index
      %swap3A_13 = arith.constant 0 : index
      %swap3A_14 = vector.load %arg2[%swap3A_12, %swap3A_13] : memref<192x1xf32, #tpu.memory_space<vmem>>, vector<192x1xf32>
      tpu.vector_store %arg2[%swap3A_12, %swap3A_13], %broadcast_in_dim3A_11 {strides = array<i32>} : memref<192x1xf32, #tpu.memory_space<vmem>>, vector<192x1xf32>,
    } else {
    }
    %get3A = arith.constant 0 : index
    %get3A_2 = arith.constant 0 : index
    %get3A_3 = vector.load %arg2[%get3A, %get3A_2] : memref<192x1xf32, #tpu.memory_space<vmem>>, vector<192x1xf32>
    %get3A_4 = arith.constant 0 : index
    %get3A_5 = arith.constant 0 : index
    %get3A_6 = vector.load %arg1[%get3A_4, %get3A_5] : memref<192x1024xf32, #tpu.memory_space<vmem>>, vector<192x1024xf32>
    %reduce_sum3A = arith.constant dense<0.000000e+00> : vector<192xf32>
    %reduce_sum3A_7 = vector.multi_reduction <add>, %get3A_6, %reduce_sum3A [1] : vector<192x1024xf32> to vector<192xf32>
    %broadcast_in_dim3A = vector.shape_cast %reduce_sum3A_7 : vector<192xf32> to vector<192x1xf32>
    %add3A = arith.addf %get3A_3, %broadcast_in_dim3A : vector<192x1xf32>
    %swap3A = arith.constant 0 : index
    %swap3A_8 = arith.constant 0 : index
    %swap3A_9 = vector.load %arg2[%swap3A, %swap3A_8] : memref<192x1xf32, #tpu.memory_space<vmem>>, vector<192x1xf32>
    tpu.vector_store %arg2[%swap3A, %swap3A_8], %add3A {strides = array<i32>} : memref<192x1xf32, #tpu.memory_space<vmem>>, vector<192x1xf32>,
    return
  }
  func.func @transform_0(%arg0: i32) -> (i32, i32) {
    %c0_i32 = arith.constant 0 : i32
    %c0_i32_0 = arith.constant 0 : i32
    return %c0_i32, %arg0 : i32, i32
  }
  func.func @transform_1(%arg0: i32) -> (i32, i32) {
    %c0_i32 = arith.constant 0 : i32
    %c0_i32_0 = arith.constant 0 : i32
    %c0_i32_1 = arith.constant 0 : i32
    return %c0_i32, %c0_i32_0 : i32, i32
  }
}

module attributes {stable_mosaic.version = 14 : i64} {
  func.func @_gate_kernel(%arg0: memref<2x96xf32, #tpu.memory_space<vmem>>, %arg1: memref<96x8xf32, #tpu.memory_space<vmem>>, %arg2: memref<2x1xf32, #tpu.memory_space<vmem>>, %arg3: memref<1x1xf32, #tpu.memory_space<vmem>>) attributes {dimension_semantics = [], scalar_prefetch = 0 : i64, scratch_operands = 0 : i64, tpu.core_type = #tpu.core_type<tc>} {
    %get3A = arith.constant 0 : index
    %get3A_0 = arith.constant 0 : index
    %get3A_1 = vector.load %arg0[%get3A, %get3A_0] : memref<2x96xf32, #tpu.memory_space<vmem>>, vector<2x96xf32>
    %mul3A = arith.constant 1.99298465E-5 : f32
    %mul3A_2 = vector.broadcast %mul3A : f32 to vector<2x96xf32>
    %mul3A_3 = arith.mulf %get3A_1, %mul3A_2 : vector<2x96xf32>
    %get3A_4 = arith.constant 0 : index
    %get3A_5 = arith.constant 0 : index
    %get3A_6 = vector.load %arg1[%get3A_4, %get3A_5] : memref<96x8xf32, #tpu.memory_space<vmem>>, vector<96x8xf32>
    %dot_general3A = arith.constant dense<0.000000e+00> : vector<2x8xf32>
    %dot_general3A_7 = tpu.matmul %mul3A_3, %get3A_6, %dot_general3A {dimension_numbers = #tpu.dot_dimension_numbers<[1], [0], [0], [1], [0, 0, 1, 1], [], []>, transpose_lhs_hint = false} : vector<2x96xf32>, vector<96x8xf32>, vector<2x8xf32> -> vector<2x8xf32>
    %reduce_max3A = arith.constant dense<0xFF800000> : vector<2xf32>
    %reduce_max3A_8 = vector.multi_reduction <maximumf>, %dot_general3A_7, %reduce_max3A [1] : vector<2x8xf32> to vector<2xf32>
    %broadcast_in_dim3A = vector.shape_cast %reduce_max3A_8 : vector<2xf32> to vector<2x1xf32>
    %sub3A = vector.broadcast %broadcast_in_dim3A : vector<2x1xf32> to vector<2x8xf32>
    %sub3A_9 = arith.subf %dot_general3A_7, %sub3A : vector<2x8xf32>
    %exp3A = math.exp %sub3A_9 : vector<2x8xf32>
    %reduce_sum3A = arith.constant dense<0.000000e+00> : vector<2xf32>
    %reduce_sum3A_10 = vector.multi_reduction <add>, %exp3A, %reduce_sum3A [1] : vector<2x8xf32> to vector<2xf32>
    %broadcast_in_dim3A_11 = vector.shape_cast %reduce_sum3A_10 : vector<2xf32> to vector<2x1xf32>
    %div3A = vector.broadcast %broadcast_in_dim3A_11 : vector<2x1xf32> to vector<2x8xf32>
    %div3A_12 = arith.divf %exp3A, %div3A : vector<2x8xf32>
    %iota3A = tpu.iota {dimensions = array<i32: 1>} : vector<2x8xi32>
    %reduce_max3A_13 = arith.constant dense<0xFF800000> : vector<2xf32>
    %reduce_max3A_14 = vector.multi_reduction <maximumf>, %div3A_12, %reduce_max3A_13 [1] : vector<2x8xf32> to vector<2xf32>
    %broadcast_in_dim3A_15 = vector.shape_cast %reduce_max3A_14 : vector<2xf32> to vector<2x1xf32>
    %eq3A = vector.broadcast %broadcast_in_dim3A_15 : vector<2x1xf32> to vector<2x8xf32>
    %eq3A_16 = arith.cmpf oeq, %div3A_12, %eq3A : vector<2x8xf32>
    %jit3A = arith.constant 8 : i32
    %broadcast_in_dim3A_17 = vector.broadcast %jit3A : i32 to vector<2x8xi32>
    %select_n3A = arith.select %eq3A_16, %iota3A, %broadcast_in_dim3A_17 : vector<2x8xi1>, vector<2x8xi32>
    %reduce_min3A = arith.constant dense<2147483647> : vector<2xi32>
    %reduce_min3A_18 = vector.multi_reduction <minsi>, %select_n3A, %reduce_min3A [1] : vector<2x8xi32> to vector<2xi32>
    %broadcast_in_dim3A_19 = vector.shape_cast %reduce_min3A_18 : vector<2xi32> to vector<2x1xi32>
    %eq3A_20 = vector.broadcast %broadcast_in_dim3A_19 : vector<2x1xi32> to vector<2x8xi32>
    %eq3A_21 = arith.cmpi eq, %iota3A, %eq3A_20 : vector<2x8xi32>
    %jit3A_22 = arith.constant 0xFF800000 : f32
    %broadcast_in_dim3A_23 = vector.broadcast %jit3A_22 : f32 to vector<2x8xf32>
    %select_n3A_24 = arith.select %eq3A_21, %broadcast_in_dim3A_23, %div3A_12 : vector<2x8xi1>, vector<2x8xf32>
    %reduce_max3A_25 = arith.constant dense<0xFF800000> : vector<2xf32>
    %reduce_max3A_26 = vector.multi_reduction <maximumf>, %select_n3A_24, %reduce_max3A_25 [1] : vector<2x8xf32> to vector<2xf32>
    %broadcast_in_dim3A_27 = vector.shape_cast %reduce_max3A_26 : vector<2xf32> to vector<2x1xf32>
    %eq3A_28 = vector.broadcast %broadcast_in_dim3A_27 : vector<2x1xf32> to vector<2x8xf32>
    %eq3A_29 = arith.cmpf oeq, %select_n3A_24, %eq3A_28 : vector<2x8xf32>
    %jit3A_30 = arith.constant 8 : i32
    %broadcast_in_dim3A_31 = vector.broadcast %jit3A_30 : i32 to vector<2x8xi32>
    %select_n3A_32 = arith.select %eq3A_29, %iota3A, %broadcast_in_dim3A_31 : vector<2x8xi1>, vector<2x8xi32>
    %reduce_min3A_33 = arith.constant dense<2147483647> : vector<2xi32>
    %reduce_min3A_34 = vector.multi_reduction <minsi>, %select_n3A_32, %reduce_min3A_33 [1] : vector<2x8xi32> to vector<2xi32>
    %broadcast_in_dim3A_35 = vector.shape_cast %reduce_min3A_34 : vector<2xi32> to vector<2x1xi32>
    %eq3A_36 = vector.broadcast %broadcast_in_dim3A_35 : vector<2x1xi32> to vector<2x8xi32>
    %eq3A_37 = arith.cmpi eq, %iota3A, %eq3A_36 : vector<2x8xi32>
    %add3A = arith.addf %broadcast_in_dim3A_15, %broadcast_in_dim3A_27 : vector<2x1xf32>
    %add3A_38 = arith.constant 9.99999997E-7 : f32
    %add3A_39 = vector.broadcast %add3A_38 : f32 to vector<2x1xf32>
    %add3A_40 = arith.addf %add3A, %add3A_39 : vector<2x1xf32>
    %jit3A_41 = arith.constant 0.000000e+00 : f32
    %broadcast_in_dim3A_42 = vector.shape_cast %broadcast_in_dim3A_15 : vector<2x1xf32> to vector<2x1xf32>
    %broadcast_in_dim3A_43 = vector.broadcast %broadcast_in_dim3A_42 : vector<2x1xf32> to vector<2x8xf32>
    %broadcast_in_dim3A_44 = vector.broadcast %jit3A_41 : f32 to vector<2x8xf32>
    %select_n3A_45 = arith.select %eq3A_21, %broadcast_in_dim3A_43, %broadcast_in_dim3A_44 : vector<2x8xi1>, vector<2x8xf32>
    %jit3A_46 = arith.constant 0.000000e+00 : f32
    %broadcast_in_dim3A_47 = vector.shape_cast %broadcast_in_dim3A_27 : vector<2x1xf32> to vector<2x1xf32>
    %broadcast_in_dim3A_48 = vector.broadcast %broadcast_in_dim3A_47 : vector<2x1xf32> to vector<2x8xf32>
    %broadcast_in_dim3A_49 = vector.broadcast %jit3A_46 : f32 to vector<2x8xf32>
    %select_n3A_50 = arith.select %eq3A_37, %broadcast_in_dim3A_48, %broadcast_in_dim3A_49 : vector<2x8xi1>, vector<2x8xf32>
    %add3A_51 = arith.addf %select_n3A_45, %select_n3A_50 : vector<2x8xf32>
    %div3A_52 = vector.broadcast %add3A_40 : vector<2x1xf32> to vector<2x8xf32>
    %div3A_53 = arith.divf %add3A_51, %div3A_52 : vector<2x8xf32>
    %div3A_54 = arith.divf %add3A, %add3A_40 : vector<2x1xf32>
    %swap3A = arith.constant 0 : index
    %swap3A_55 = arith.constant 0 : index
    %swap3A_56 = vector.load %arg2[%swap3A, %swap3A_55] : memref<2x1xf32, #tpu.memory_space<vmem>>, vector<2x1xf32>
    tpu.vector_store %arg2[%swap3A, %swap3A_55], %div3A_54 {strides = array<i32>} : memref<2x1xf32, #tpu.memory_space<vmem>>, vector<2x1xf32>,
    %reduce_sum3A_57 = arith.constant dense<0.000000e+00> : vector<8xf32>
    %reduce_sum3A_58 = vector.multi_reduction <add>, %div3A_53, %reduce_sum3A_57 [0] : vector<2x8xf32> to vector<8xf32>
    %broadcast_in_dim3A_59 = vector.shape_cast %reduce_sum3A_58 : vector<8xf32> to vector<1x8xf32>
    %gt3A = arith.constant 0.000000e+00 : f32
    %gt3A_60 = vector.broadcast %gt3A : f32 to vector<2x8xf32>
    %gt3A_61 = arith.cmpf ogt, %div3A_53, %gt3A_60 : vector<2x8xf32>
    %convert_element_type3A = arith.extui %gt3A_61 : vector<2x8xi1> to vector<2x8xi32>
    %convert_element_type3A_62 = arith.sitofp %convert_element_type3A : vector<2x8xi32> to vector<2x8xf32>
    %reduce_sum3A_63 = arith.constant dense<0.000000e+00> : vector<8xf32>
    %reduce_sum3A_64 = vector.multi_reduction <add>, %convert_element_type3A_62, %reduce_sum3A_63 [0] : vector<2x8xf32> to vector<8xf32>
    %broadcast_in_dim3A_65 = vector.shape_cast %reduce_sum3A_64 : vector<8xf32> to vector<1x8xf32>
    %reduce_sum3A_66 = arith.constant dense<0.000000e+00> : vector<1xf32>
    %reduce_sum3A_67 = vector.multi_reduction <add>, %broadcast_in_dim3A_59, %reduce_sum3A_66 [1] : vector<1x8xf32> to vector<1xf32>
    %broadcast_in_dim3A_68 = vector.shape_cast %reduce_sum3A_67 : vector<1xf32> to vector<1x1xf32>
    %div3A_69 = arith.constant 8.000000e+00 : f32
    %div3A_70 = vector.broadcast %div3A_69 : f32 to vector<1x1xf32>
    %div3A_71 = arith.divf %broadcast_in_dim3A_68, %div3A_70 : vector<1x1xf32>
    %sub3A_72 = vector.broadcast %div3A_71 : vector<1x1xf32> to vector<1x8xf32>
    %sub3A_73 = arith.subf %broadcast_in_dim3A_59, %sub3A_72 : vector<1x8xf32>
    %integer_pow3A = arith.mulf %sub3A_73, %sub3A_73 : vector<1x8xf32>
    %reduce_sum3A_74 = arith.constant dense<0.000000e+00> : vector<1xf32>
    %reduce_sum3A_75 = vector.multi_reduction <add>, %integer_pow3A, %reduce_sum3A_74 [1] : vector<1x8xf32> to vector<1xf32>
    %broadcast_in_dim3A_76 = vector.shape_cast %reduce_sum3A_75 : vector<1xf32> to vector<1x1xf32>
    %div3A_77 = arith.constant 7.000000e+00 : f32
    %div3A_78 = vector.broadcast %div3A_77 : f32 to vector<1x1xf32>
    %div3A_79 = arith.divf %broadcast_in_dim3A_76, %div3A_78 : vector<1x1xf32>
    %mul3A_80 = arith.mulf %div3A_71, %div3A_71 : vector<1x1xf32>
    %add3A_81 = arith.constant 1.000000e-10 : f32
    %add3A_82 = vector.broadcast %add3A_81 : f32 to vector<1x1xf32>
    %add3A_83 = arith.addf %mul3A_80, %add3A_82 : vector<1x1xf32>
    %div3A_84 = arith.divf %div3A_79, %add3A_83 : vector<1x1xf32>
    %reduce_sum3A_85 = arith.constant dense<0.000000e+00> : vector<1xf32>
    %reduce_sum3A_86 = vector.multi_reduction <add>, %broadcast_in_dim3A_65, %reduce_sum3A_85 [1] : vector<1x8xf32> to vector<1xf32>
    %broadcast_in_dim3A_87 = vector.shape_cast %reduce_sum3A_86 : vector<1xf32> to vector<1x1xf32>
    %div3A_88 = arith.constant 8.000000e+00 : f32
    %div3A_89 = vector.broadcast %div3A_88 : f32 to vector<1x1xf32>
    %div3A_90 = arith.divf %broadcast_in_dim3A_87, %div3A_89 : vector<1x1xf32>
    %sub3A_91 = vector.broadcast %div3A_90 : vector<1x1xf32> to vector<1x8xf32>
    %sub3A_92 = arith.subf %broadcast_in_dim3A_65, %sub3A_91 : vector<1x8xf32>
    %integer_pow3A_93 = arith.mulf %sub3A_92, %sub3A_92 : vector<1x8xf32>
    %reduce_sum3A_94 = arith.constant dense<0.000000e+00> : vector<1xf32>
    %reduce_sum3A_95 = vector.multi_reduction <add>, %integer_pow3A_93, %reduce_sum3A_94 [1] : vector<1x8xf32> to vector<1xf32>
    %broadcast_in_dim3A_96 = vector.shape_cast %reduce_sum3A_95 : vector<1xf32> to vector<1x1xf32>
    %div3A_97 = arith.constant 7.000000e+00 : f32
    %div3A_98 = vector.broadcast %div3A_97 : f32 to vector<1x1xf32>
    %div3A_99 = arith.divf %broadcast_in_dim3A_96, %div3A_98 : vector<1x1xf32>
    %mul3A_100 = arith.mulf %div3A_90, %div3A_90 : vector<1x1xf32>
    %add3A_101 = arith.constant 1.000000e-10 : f32
    %add3A_102 = vector.broadcast %add3A_101 : f32 to vector<1x1xf32>
    %add3A_103 = arith.addf %mul3A_100, %add3A_102 : vector<1x1xf32>
    %div3A_104 = arith.divf %div3A_99, %add3A_103 : vector<1x1xf32>
    %add3A_105 = arith.addf %div3A_84, %div3A_104 : vector<1x1xf32>
    %mul3A_106 = arith.constant 0.00999999977 : f32
    %mul3A_107 = vector.broadcast %mul3A_106 : f32 to vector<1x1xf32>
    %mul3A_108 = arith.mulf %add3A_105, %mul3A_107 : vector<1x1xf32>
    %swap3A_109 = arith.constant 0 : index
    %swap3A_110 = arith.constant 0 : index
    %swap3A_111 = vector.load %arg3[%swap3A_109, %swap3A_110] : memref<1x1xf32, #tpu.memory_space<vmem>>, vector<1x1xf32>
    tpu.vector_store %arg3[%swap3A_109, %swap3A_110], %mul3A_108 {strides = array<i32>} : memref<1x1xf32, #tpu.memory_space<vmem>>, vector<1x1xf32>,
    return
  }
}

module attributes {stable_mosaic.version = 14 : i64} {
  func.func @_conv_kernel(%arg0: i32, %arg1: i32, %arg2: memref<1x2xf32, #tpu.memory_space<vmem>>, %arg3: memref<2x1xf32, #tpu.memory_space<vmem>>, %arg4: memref<1x96x256xf32, #tpu.memory_space<vmem>>, %arg5: memref<1x96x4096xf32, #tpu.memory_space<vmem>>, %arg6: memref<1x96x256xf32, #tpu.memory_space<vmem>>, %arg7: memref<3x3x96x384xbf16, #tpu.memory_space<vmem>>, %arg8: memref<1x96x4096xf32, #tpu.memory_space<vmem>>) attributes {dimension_semantics = [#tpu.dimension_semantics<arbitrary>, #tpu.dimension_semantics<arbitrary>], iteration_bounds = array<i64: 2, 14>, scalar_prefetch = 0 : i64, scratch_operands = 0 : i64, tpu.core_type = #tpu.core_type<tc>, window_params = [{pipeline_mode = #tpu.pipeline_mode<synchronous>, transform_indices = @transform_0, window_bounds = array<i64: 1, 2>}, {pipeline_mode = #tpu.pipeline_mode<synchronous>, transform_indices = @transform_1, window_bounds = array<i64: 2, 1>}, {transform_indices = @transform_2, window_bounds = array<i64: 1, 96, 256>}, {transform_indices = @transform_3, window_bounds = array<i64: 1, 96, 4096>}, {transform_indices = @transform_4, window_bounds = array<i64: 1, 96, 256>}, {pipeline_mode = #tpu.pipeline_mode<synchronous>, transform_indices = @transform_5, window_bounds = array<i64: 3, 3, 96, 384>}, {transform_indices = @transform_6, window_bounds = array<i64: 1, 96, 4096>}]} {
    %get3A = arith.constant 0 : index
    %get3A_0 = arith.constant 0 : index
    %get3A_1 = vector.load %arg2[%get3A, %get3A_0] : memref<1x2xf32, #tpu.memory_space<vmem>>, vector<1x1xf32>
    %get3A_2 = arith.constant 0 : index
    %get3A_3 = arith.constant 1 : index
    %get3A_4 = vector.load %arg2[%get3A_2, %get3A_3] : memref<1x2xf32, #tpu.memory_space<vmem>>, vector<1x1xf32>
    %get3A_5 = arith.constant 0 : index
    %get3A_6 = arith.constant 0 : index
    %get3A_7 = arith.constant 0 : index
    %get3A_8 = vector.load %arg4[%get3A_5, %get3A_6, %get3A_7] : memref<1x96x256xf32, #tpu.memory_space<vmem>>, vector<1x96x256xf32>
    %get3A_9 = vector.shape_cast %get3A_8 : vector<1x96x256xf32> to vector<96x256xf32>
    %get3A_10 = arith.constant 0 : index
    %get3A_11 = arith.constant 0 : index
    %get3A_12 = arith.constant 0 : index
    %get3A_13 = vector.load %arg5[%get3A_10, %get3A_11, %get3A_12] : memref<1x96x4096xf32, #tpu.memory_space<vmem>>, vector<1x96x4096xf32>
    %get3A_14 = vector.shape_cast %get3A_13 : vector<1x96x4096xf32> to vector<96x4096xf32>
    %get3A_15 = arith.constant 0 : index
    %get3A_16 = arith.constant 0 : index
    %get3A_17 = arith.constant 0 : index
    %get3A_18 = vector.load %arg6[%get3A_15, %get3A_16, %get3A_17] : memref<1x96x256xf32, #tpu.memory_space<vmem>>, vector<1x96x256xf32>
    %get3A_19 = vector.shape_cast %get3A_18 : vector<1x96x256xf32> to vector<96x256xf32>
    %concatenate3A = tpu.concatenate %get3A_9, %get3A_14, %get3A_19 in 1 : vector<96x256xf32>, vector<96x4096xf32>, vector<96x256xf32> -> vector<96x4608xf32>
    %tanh3A = math.tanh %concatenate3A : vector<96x4608xf32>
    %mul3A = arith.mulf %tanh3A, %tanh3A : vector<96x4608xf32>
    %sub3A = vector.broadcast %get3A_1 : vector<1x1xf32> to vector<96x4608xf32>
    %sub3A_20 = arith.subf %mul3A, %sub3A : vector<96x4608xf32>
    %sub3A_21 = vector.broadcast %get3A_4 : vector<1x1xf32> to vector<96x4608xf32>
    %sub3A_22 = arith.subf %sub3A_20, %sub3A_21 : vector<96x4608xf32>
    %mul3A_23 = arith.mulf %tanh3A, %sub3A_22 : vector<96x4608xf32>
    %concatenate3A_24 = tpu.concatenate %tanh3A, %sub3A_20, %mul3A_23 in 0 : vector<96x4608xf32>, vector<96x4608xf32>, vector<96x4608xf32> -> vector<288x4608xf32>
    %logistic3A = arith.negf %concatenate3A_24 : vector<288x4608xf32>
    %logistic3A_25 = math.exp %logistic3A : vector<288x4608xf32>
    %logistic3A_26 = arith.constant 1.000000e+00 : f32
    %logistic3A_27 = vector.broadcast %logistic3A_26 : f32 to vector<288x4608xf32>
    %logistic3A_28 = arith.addf %logistic3A_27, %logistic3A_25 : vector<288x4608xf32>
    %logistic3A_29 = arith.divf %logistic3A_27, %logistic3A_28 : vector<288x4608xf32>
    %mul3A_30 = arith.mulf %concatenate3A_24, %logistic3A_29 : vector<288x4608xf32>
    %iota3A = tpu.iota {dimensions = array<i32: 1>} : vector<1x4608xi32>
    %mul3A_31 = arith.constant 16 : i32
    %mul3A_32 = arith.muli %arg1, %mul3A_31 : i32
    %sub3A_33 = arith.constant 1 : i32
    %sub3A_34 = arith.subi %mul3A_32, %sub3A_33 : i32
    %jit3A = arith.constant 256 : i32
    %div3A = vector.broadcast %jit3A : i32 to vector<1x4608xi32>
    %div3A_35 = arith.divsi %iota3A, %div3A : vector<1x4608xi32>
    %sign3A = arith.constant 0 : i32
    %sign3A_36 = vector.broadcast %sign3A : i32 to vector<1x4608xi32>
    %sign3A_37 = arith.cmpi sgt, %iota3A, %sign3A_36 : vector<1x4608xi32>
    %sign3A_38 = arith.extui %sign3A_37 : vector<1x4608xi1> to vector<1x4608xi32>
    %sign3A_39 = arith.constant 0 : i32
    %sign3A_40 = vector.broadcast %sign3A_39 : i32 to vector<1x4608xi32>
    %sign3A_41 = arith.cmpi slt, %iota3A, %sign3A_40 : vector<1x4608xi32>
    %sign3A_42 = arith.extui %sign3A_41 : vector<1x4608xi1> to vector<1x4608xi32>
    %sign3A_43 = arith.subi %sign3A_38, %sign3A_42 : vector<1x4608xi32>
    %sign3A_44 = arith.constant 0 : i32
    %sign3A_45 = arith.cmpi sgt, %jit3A, %sign3A_44 : i32
    %sign3A_46 = arith.extui %sign3A_45 : i1 to i32
    %sign3A_47 = arith.constant 0 : i32
    %sign3A_48 = arith.cmpi slt, %jit3A, %sign3A_47 : i32
    %sign3A_49 = arith.extui %sign3A_48 : i1 to i32
    %sign3A_50 = arith.subi %sign3A_46, %sign3A_49 : i32
    %ne3A = vector.broadcast %sign3A_50 : i32 to vector<1x4608xi32>
    %ne3A_51 = arith.cmpi ne, %sign3A_43, %ne3A : vector<1x4608xi32>
    %rem3A = vector.broadcast %jit3A : i32 to vector<1x4608xi32>
    %rem3A_52 = arith.remsi %iota3A, %rem3A : vector<1x4608xi32>
    %ne3A_53 = arith.constant 0 : i32
    %ne3A_54 = vector.broadcast %ne3A_53 : i32 to vector<1x4608xi32>
    %ne3A_55 = arith.cmpi ne, %rem3A_52, %ne3A_54 : vector<1x4608xi32>
    %and3A = arith.andi %ne3A_51, %ne3A_55 : vector<1x4608xi1>
    %sub3A_56 = arith.constant 1 : i32
    %sub3A_57 = vector.broadcast %sub3A_56 : i32 to vector<1x4608xi32>
    %sub3A_58 = arith.subi %div3A_35, %sub3A_57 : vector<1x4608xi32>
    %select_n3A = arith.select %and3A, %sub3A_58, %div3A_35 : vector<1x4608xi1>, vector<1x4608xi32>
    %add3A = vector.broadcast %sub3A_34 : i32 to vector<1x4608xi32>
    %add3A_59 = arith.addi %add3A, %select_n3A : vector<1x4608xi32>
    %ge3A = arith.constant 0 : i32
    %ge3A_60 = vector.broadcast %ge3A : i32 to vector<1x4608xi32>
    %ge3A_61 = arith.cmpi sge, %add3A_59, %ge3A_60 : vector<1x4608xi32>
    %lt3A = arith.constant 224 : i32
    %lt3A_62 = vector.broadcast %lt3A : i32 to vector<1x4608xi32>
    %lt3A_63 = arith.cmpi slt, %add3A_59, %lt3A_62 : vector<1x4608xi32>
    %and3A_64 = arith.andi %ge3A_61, %lt3A_63 : vector<1x4608xi1>
    %jit3A_65 = arith.constant 256 : i32
    %eq3A = arith.constant 0 : i32
    %eq3A_66 = arith.cmpi eq, %jit3A_65, %eq3A : i32
    %jit3A_67 = arith.constant 1 : i32
    %select_n3A_68 = arith.select %eq3A_66, %jit3A_67, %jit3A_65 : i32
    %rem3A_69 = vector.broadcast %select_n3A_68 : i32 to vector<1x4608xi32>
    %rem3A_70 = arith.remsi %iota3A, %rem3A_69 : vector<1x4608xi32>
    %ne3A_71 = arith.constant 0 : i32
    %ne3A_72 = vector.broadcast %ne3A_71 : i32 to vector<1x4608xi32>
    %ne3A_73 = arith.cmpi ne, %rem3A_70, %ne3A_72 : vector<1x4608xi32>
    %lt3A_74 = arith.constant 0 : i32
    %lt3A_75 = vector.broadcast %lt3A_74 : i32 to vector<1x4608xi32>
    %lt3A_76 = arith.cmpi slt, %rem3A_70, %lt3A_75 : vector<1x4608xi32>
    %lt3A_77 = arith.constant 0 : i32
    %lt3A_78 = arith.cmpi slt, %select_n3A_68, %lt3A_77 : i32
    %ne3A_79 = vector.broadcast %lt3A_78 : i1 to vector<1x4608xi1>
    %ne3A_80 = vector.broadcast %ne3A_79 : vector<1x4608xi1> to vector<1x4608xi1>
    %ne3A_81 = arith.xori %lt3A_76, %ne3A_80 : vector<1x4608xi1>
    %and3A_82 = arith.andi %ne3A_81, %ne3A_73 : vector<1x4608xi1>
    %add3A_83 = vector.broadcast %select_n3A_68 : i32 to vector<1x4608xi32>
    %add3A_84 = arith.addi %rem3A_70, %add3A_83 : vector<1x4608xi32>
    %select_n3A_85 = arith.select %and3A_82, %add3A_84, %rem3A_70 : vector<1x4608xi1>, vector<1x4608xi32>
    %lt3A_86 = arith.constant 224 : i32
    %lt3A_87 = vector.broadcast %lt3A_86 : i32 to vector<1x4608xi32>
    %lt3A_88 = arith.cmpi slt, %select_n3A_85, %lt3A_87 : vector<1x4608xi32>
    %and3A_89 = arith.andi %and3A_64, %lt3A_88 : vector<1x4608xi1>
    %broadcast_in_dim3A = arith.constant 0.731058597 : f32
    %broadcast_in_dim3A_90 = vector.broadcast %broadcast_in_dim3A : f32 to vector<96x4608xf32>
    %concatenate3A_91 = tpu.concatenate %broadcast_in_dim3A_90, %mul3A_30 in 0 : vector<96x4608xf32>, vector<288x4608xf32> -> vector<384x4608xf32>
    %jit3A_92 = arith.constant 0.000000e+00 : f32
    %broadcast_in_dim3A_93 = vector.shape_cast %and3A_89 : vector<1x4608xi1> to vector<1x4608xi1>
    %broadcast_in_dim3A_94 = vector.broadcast %broadcast_in_dim3A_93 : vector<1x4608xi1> to vector<384x4608xi1>
    %broadcast_in_dim3A_95 = vector.broadcast %jit3A_92 : f32 to vector<384x4608xf32>
    %select_n3A_96 = arith.select %broadcast_in_dim3A_94, %concatenate3A_91, %broadcast_in_dim3A_95 : vector<384x4608xi1>, vector<384x4608xf32>
    %convert_element_type3A = arith.truncf %select_n3A_96 : vector<384x4608xf32> to vector<384x4608xbf16>
    %eq3A_97 = arith.constant 0 : i32
    %eq3A_98 = vector.broadcast %eq3A_97 : i32 to vector<1x4608xi32>
    %eq3A_99 = arith.cmpi eq, %iota3A, %eq3A_98 : vector<1x4608xi32>
    %slice3A = vector.extract_strided_slice %convert_element_type3A {offsets = [0, 4607], sizes = [384, 1], strides = [1, 1]} : vector<384x4608xbf16> to vector<384x1xbf16>
    %slice3A_100 = vector.extract_strided_slice %convert_element_type3A {offsets = [0, 0], sizes = [384, 4607], strides = [1, 1]} : vector<384x4608xbf16> to vector<384x4607xbf16>
    %concatenate3A_101 = tpu.concatenate %slice3A, %slice3A_100 in 1 : vector<384x1xbf16>, vector<384x4607xbf16> -> vector<384x4608xbf16>
    %jit3A_102 = arith.constant 0.000000e+00 : bf16
    %broadcast_in_dim3A_103 = vector.shape_cast %eq3A_99 : vector<1x4608xi1> to vector<1x4608xi1>
    %broadcast_in_dim3A_104 = vector.broadcast %broadcast_in_dim3A_103 : vector<1x4608xi1> to vector<384x4608xi1>
    %broadcast_in_dim3A_105 = vector.broadcast %jit3A_102 : bf16 to vector<384x4608xbf16>
    %select_n3A_106 = arith.select %broadcast_in_dim3A_104, %broadcast_in_dim3A_105, %concatenate3A_101 : vector<384x4608xi1>, vector<384x4608xbf16>
    %eq3A_107 = arith.constant 4607 : i32
    %eq3A_108 = vector.broadcast %eq3A_107 : i32 to vector<1x4608xi32>
    %eq3A_109 = arith.cmpi eq, %iota3A, %eq3A_108 : vector<1x4608xi32>
    %slice3A_110 = vector.extract_strided_slice %convert_element_type3A {offsets = [0, 1], sizes = [384, 4607], strides = [1, 1]} : vector<384x4608xbf16> to vector<384x4607xbf16>
    %slice3A_111 = vector.extract_strided_slice %convert_element_type3A {offsets = [0, 0], sizes = [384, 1], strides = [1, 1]} : vector<384x4608xbf16> to vector<384x1xbf16>
    %concatenate3A_112 = tpu.concatenate %slice3A_110, %slice3A_111 in 1 : vector<384x4607xbf16>, vector<384x1xbf16> -> vector<384x4608xbf16>
    %jit3A_113 = arith.constant 0.000000e+00 : bf16
    %broadcast_in_dim3A_114 = vector.shape_cast %eq3A_109 : vector<1x4608xi1> to vector<1x4608xi1>
    %broadcast_in_dim3A_115 = vector.broadcast %broadcast_in_dim3A_114 : vector<1x4608xi1> to vector<384x4608xi1>
    %broadcast_in_dim3A_116 = vector.broadcast %jit3A_113 : bf16 to vector<384x4608xbf16>
    %select_n3A_117 = arith.select %broadcast_in_dim3A_115, %broadcast_in_dim3A_116, %concatenate3A_112 : vector<384x4608xi1>, vector<384x4608xbf16>
    %broadcast_in_dim3A_118 = arith.constant 0.000000e+00 : f32
    %broadcast_in_dim3A_119 = vector.broadcast %broadcast_in_dim3A_118 : f32 to vector<96x4096xf32>
    %get3A_120 = arith.constant 0 : index
    %get3A_121 = arith.constant 0 : index
    %get3A_122 = arith.constant 0 : index
    %get3A_123 = arith.constant 0 : index
    %get3A_124 = vector.load %arg7[%get3A_120, %get3A_121, %get3A_122, %get3A_123] : memref<3x3x96x384xbf16, #tpu.memory_space<vmem>>, vector<1x1x96x384xbf16>
    %get3A_125 = vector.shape_cast %get3A_124 : vector<1x1x96x384xbf16> to vector<96x384xbf16>
    %slice3A_126 = vector.extract_strided_slice %select_n3A_106 {offsets = [0, 0], sizes = [384, 4096], strides = [1, 1]} : vector<384x4608xbf16> to vector<384x4096xbf16>
    %dot_general3A = arith.constant dense<0.000000e+00> : vector<96x4096xf32>
    %dot_general3A_127 = tpu.matmul %get3A_125, %slice3A_126, %dot_general3A {dimension_numbers = #tpu.dot_dimension_numbers<[1], [0], [0], [1], [0, 0, 1, 1], [], []>, transpose_lhs_hint = false} : vector<96x384xbf16>, vector<384x4096xbf16>, vector<96x4096xf32> -> vector<96x4096xf32>
    %add3A_128 = arith.addf %broadcast_in_dim3A_119, %dot_general3A_127 : vector<96x4096xf32>
    %get3A_129 = arith.constant 0 : index
    %get3A_130 = arith.constant 1 : index
    %get3A_131 = arith.constant 0 : index
    %get3A_132 = arith.constant 0 : index
    %get3A_133 = vector.load %arg7[%get3A_129, %get3A_130, %get3A_131, %get3A_132] : memref<3x3x96x384xbf16, #tpu.memory_space<vmem>>, vector<1x1x96x384xbf16>
    %get3A_134 = vector.shape_cast %get3A_133 : vector<1x1x96x384xbf16> to vector<96x384xbf16>
    %slice3A_135 = vector.extract_strided_slice %convert_element_type3A {offsets = [0, 0], sizes = [384, 4096], strides = [1, 1]} : vector<384x4608xbf16> to vector<384x4096xbf16>
    %dot_general3A_136 = arith.constant dense<0.000000e+00> : vector<96x4096xf32>
    %dot_general3A_137 = tpu.matmul %get3A_134, %slice3A_135, %dot_general3A_136 {dimension_numbers = #tpu.dot_dimension_numbers<[1], [0], [0], [1], [0, 0, 1, 1], [], []>, transpose_lhs_hint = false} : vector<96x384xbf16>, vector<384x4096xbf16>, vector<96x4096xf32> -> vector<96x4096xf32>
    %add3A_138 = arith.addf %add3A_128, %dot_general3A_137 : vector<96x4096xf32>
    %get3A_139 = arith.constant 0 : index
    %get3A_140 = arith.constant 2 : index
    %get3A_141 = arith.constant 0 : index
    %get3A_142 = arith.constant 0 : index
    %get3A_143 = vector.load %arg7[%get3A_139, %get3A_140, %get3A_141, %get3A_142] : memref<3x3x96x384xbf16, #tpu.memory_space<vmem>>, vector<1x1x96x384xbf16>
    %get3A_144 = vector.shape_cast %get3A_143 : vector<1x1x96x384xbf16> to vector<96x384xbf16>
    %slice3A_145 = vector.extract_strided_slice %select_n3A_117 {offsets = [0, 0], sizes = [384, 4096], strides = [1, 1]} : vector<384x4608xbf16> to vector<384x4096xbf16>
    %dot_general3A_146 = arith.constant dense<0.000000e+00> : vector<96x4096xf32>
    %dot_general3A_147 = tpu.matmul %get3A_144, %slice3A_145, %dot_general3A_146 {dimension_numbers = #tpu.dot_dimension_numbers<[1], [0], [0], [1], [0, 0, 1, 1], [], []>, transpose_lhs_hint = false} : vector<96x384xbf16>, vector<384x4096xbf16>, vector<96x4096xf32> -> vector<96x4096xf32>
    %add3A_148 = arith.addf %add3A_138, %dot_general3A_147 : vector<96x4096xf32>
    %get3A_149 = arith.constant 1 : index
    %get3A_150 = arith.constant 0 : index
    %get3A_151 = arith.constant 0 : index
    %get3A_152 = arith.constant 0 : index
    %get3A_153 = vector.load %arg7[%get3A_149, %get3A_150, %get3A_151, %get3A_152] : memref<3x3x96x384xbf16, #tpu.memory_space<vmem>>, vector<1x1x96x384xbf16>
    %get3A_154 = vector.shape_cast %get3A_153 : vector<1x1x96x384xbf16> to vector<96x384xbf16>
    %slice3A_155 = vector.extract_strided_slice %select_n3A_106 {offsets = [0, 256], sizes = [384, 4096], strides = [1, 1]} : vector<384x4608xbf16> to vector<384x4096xbf16>
    %dot_general3A_156 = arith.constant dense<0.000000e+00> : vector<96x4096xf32>
    %dot_general3A_157 = tpu.matmul %get3A_154, %slice3A_155, %dot_general3A_156 {dimension_numbers = #tpu.dot_dimension_numbers<[1], [0], [0], [1], [0, 0, 1, 1], [], []>, transpose_lhs_hint = false} : vector<96x384xbf16>, vector<384x4096xbf16>, vector<96x4096xf32> -> vector<96x4096xf32>
    %add3A_158 = arith.addf %add3A_148, %dot_general3A_157 : vector<96x4096xf32>
    %get3A_159 = arith.constant 1 : index
    %get3A_160 = arith.constant 1 : index
    %get3A_161 = arith.constant 0 : index
    %get3A_162 = arith.constant 0 : index
    %get3A_163 = vector.load %arg7[%get3A_159, %get3A_160, %get3A_161, %get3A_162] : memref<3x3x96x384xbf16, #tpu.memory_space<vmem>>, vector<1x1x96x384xbf16>
    %get3A_164 = vector.shape_cast %get3A_163 : vector<1x1x96x384xbf16> to vector<96x384xbf16>
    %slice3A_165 = vector.extract_strided_slice %convert_element_type3A {offsets = [0, 256], sizes = [384, 4096], strides = [1, 1]} : vector<384x4608xbf16> to vector<384x4096xbf16>
    %dot_general3A_166 = arith.constant dense<0.000000e+00> : vector<96x4096xf32>
    %dot_general3A_167 = tpu.matmul %get3A_164, %slice3A_165, %dot_general3A_166 {dimension_numbers = #tpu.dot_dimension_numbers<[1], [0], [0], [1], [0, 0, 1, 1], [], []>, transpose_lhs_hint = false} : vector<96x384xbf16>, vector<384x4096xbf16>, vector<96x4096xf32> -> vector<96x4096xf32>
    %add3A_168 = arith.addf %add3A_158, %dot_general3A_167 : vector<96x4096xf32>
    %get3A_169 = arith.constant 1 : index
    %get3A_170 = arith.constant 2 : index
    %get3A_171 = arith.constant 0 : index
    %get3A_172 = arith.constant 0 : index
    %get3A_173 = vector.load %arg7[%get3A_169, %get3A_170, %get3A_171, %get3A_172] : memref<3x3x96x384xbf16, #tpu.memory_space<vmem>>, vector<1x1x96x384xbf16>
    %get3A_174 = vector.shape_cast %get3A_173 : vector<1x1x96x384xbf16> to vector<96x384xbf16>
    %slice3A_175 = vector.extract_strided_slice %select_n3A_117 {offsets = [0, 256], sizes = [384, 4096], strides = [1, 1]} : vector<384x4608xbf16> to vector<384x4096xbf16>
    %dot_general3A_176 = arith.constant dense<0.000000e+00> : vector<96x4096xf32>
    %dot_general3A_177 = tpu.matmul %get3A_174, %slice3A_175, %dot_general3A_176 {dimension_numbers = #tpu.dot_dimension_numbers<[1], [0], [0], [1], [0, 0, 1, 1], [], []>, transpose_lhs_hint = false} : vector<96x384xbf16>, vector<384x4096xbf16>, vector<96x4096xf32> -> vector<96x4096xf32>
    %add3A_178 = arith.addf %add3A_168, %dot_general3A_177 : vector<96x4096xf32>
    %get3A_179 = arith.constant 2 : index
    %get3A_180 = arith.constant 0 : index
    %get3A_181 = arith.constant 0 : index
    %get3A_182 = arith.constant 0 : index
    %get3A_183 = vector.load %arg7[%get3A_179, %get3A_180, %get3A_181, %get3A_182] : memref<3x3x96x384xbf16, #tpu.memory_space<vmem>>, vector<1x1x96x384xbf16>
    %get3A_184 = vector.shape_cast %get3A_183 : vector<1x1x96x384xbf16> to vector<96x384xbf16>
    %slice3A_185 = vector.extract_strided_slice %select_n3A_106 {offsets = [0, 512], sizes = [384, 4096], strides = [1, 1]} : vector<384x4608xbf16> to vector<384x4096xbf16>
    %dot_general3A_186 = arith.constant dense<0.000000e+00> : vector<96x4096xf32>
    %dot_general3A_187 = tpu.matmul %get3A_184, %slice3A_185, %dot_general3A_186 {dimension_numbers = #tpu.dot_dimension_numbers<[1], [0], [0], [1], [0, 0, 1, 1], [], []>, transpose_lhs_hint = false} : vector<96x384xbf16>, vector<384x4096xbf16>, vector<96x4096xf32> -> vector<96x4096xf32>
    %add3A_188 = arith.addf %add3A_178, %dot_general3A_187 : vector<96x4096xf32>
    %get3A_189 = arith.constant 2 : index
    %get3A_190 = arith.constant 1 : index
    %get3A_191 = arith.constant 0 : index
    %get3A_192 = arith.constant 0 : index
    %get3A_193 = vector.load %arg7[%get3A_189, %get3A_190, %get3A_191, %get3A_192] : memref<3x3x96x384xbf16, #tpu.memory_space<vmem>>, vector<1x1x96x384xbf16>
    %get3A_194 = vector.shape_cast %get3A_193 : vector<1x1x96x384xbf16> to vector<96x384xbf16>
    %slice3A_195 = vector.extract_strided_slice %convert_element_type3A {offsets = [0, 512], sizes = [384, 4096], strides = [1, 1]} : vector<384x4608xbf16> to vector<384x4096xbf16>
    %dot_general3A_196 = arith.constant dense<0.000000e+00> : vector<96x4096xf32>
    %dot_general3A_197 = tpu.matmul %get3A_194, %slice3A_195, %dot_general3A_196 {dimension_numbers = #tpu.dot_dimension_numbers<[1], [0], [0], [1], [0, 0, 1, 1], [], []>, transpose_lhs_hint = false} : vector<96x384xbf16>, vector<384x4096xbf16>, vector<96x4096xf32> -> vector<96x4096xf32>
    %add3A_198 = arith.addf %add3A_188, %dot_general3A_197 : vector<96x4096xf32>
    %get3A_199 = arith.constant 2 : index
    %get3A_200 = arith.constant 2 : index
    %get3A_201 = arith.constant 0 : index
    %get3A_202 = arith.constant 0 : index
    %get3A_203 = vector.load %arg7[%get3A_199, %get3A_200, %get3A_201, %get3A_202] : memref<3x3x96x384xbf16, #tpu.memory_space<vmem>>, vector<1x1x96x384xbf16>
    %get3A_204 = vector.shape_cast %get3A_203 : vector<1x1x96x384xbf16> to vector<96x384xbf16>
    %slice3A_205 = vector.extract_strided_slice %select_n3A_117 {offsets = [0, 512], sizes = [384, 4096], strides = [1, 1]} : vector<384x4608xbf16> to vector<384x4096xbf16>
    %dot_general3A_206 = arith.constant dense<0.000000e+00> : vector<96x4096xf32>
    %dot_general3A_207 = tpu.matmul %get3A_204, %slice3A_205, %dot_general3A_206 {dimension_numbers = #tpu.dot_dimension_numbers<[1], [0], [0], [1], [0, 0, 1, 1], [], []>, transpose_lhs_hint = false} : vector<96x384xbf16>, vector<384x4096xbf16>, vector<96x4096xf32> -> vector<96x4096xf32>
    %add3A_208 = arith.addf %add3A_198, %dot_general3A_207 : vector<96x4096xf32>
    %get3A_209 = arith.index_cast %arg0 : i32 to index
    %get3A_210 = arith.constant 0 : index
    %get3A_211 = vector.load %arg3[%get3A_209, %get3A_210] : memref<2x1xf32, #tpu.memory_space<vmem>>, vector<1x1xf32>
    %mul3A_212 = vector.broadcast %get3A_211 : vector<1x1xf32> to vector<96x4096xf32>
    %mul3A_213 = arith.mulf %add3A_208, %mul3A_212 : vector<96x4096xf32>
    %swap3A = arith.constant 0 : index
    %swap3A_214 = arith.constant 0 : index
    %swap3A_215 = arith.constant 0 : index
    %swap3A_216 = vector.load %arg8[%swap3A, %swap3A_214, %swap3A_215] : memref<1x96x4096xf32, #tpu.memory_space<vmem>>, vector<1x96x4096xf32>
    %swap3A_217 = vector.shape_cast %swap3A_216 : vector<1x96x4096xf32> to vector<96x4096xf32>
    %swap3A_218 = vector.shape_cast %mul3A_213 : vector<96x4096xf32> to vector<1x96x4096xf32>
    tpu.vector_store %arg8[%swap3A, %swap3A_214, %swap3A_215], %swap3A_218 {strides = array<i32>} : memref<1x96x4096xf32, #tpu.memory_space<vmem>>, vector<1x96x4096xf32>,
    return
  }
  func.func @transform_0(%arg0: i32, %arg1: i32) -> (i32, i32) {
    %c0_i32 = arith.constant 0 : i32
    %c0_i32_0 = arith.constant 0 : i32
    %c0_i32_1 = arith.constant 0 : i32
    return %c0_i32, %c0_i32_0 : i32, i32
  }
  func.func @transform_1(%arg0: i32, %arg1: i32) -> (i32, i32) {
    %c0_i32 = arith.constant 0 : i32
    %c0_i32_0 = arith.constant 0 : i32
    %c0_i32_1 = arith.constant 0 : i32
    return %c0_i32, %c0_i32_0 : i32, i32
  }
  func.func @transform_2(%arg0: i32, %arg1: i32) -> (i32, i32, i32) {
    %mul3A = arith.constant 16 : i32
    %mul3A_0 = arith.muli %arg1, %mul3A : i32
    %sub3A = arith.constant 1 : i32
    %sub3A_1 = arith.subi %mul3A_0, %sub3A : i32
    %max3A = arith.constant 0 : i32
    %max3A_2 = arith.maxsi %sub3A_1, %max3A : i32
    %c0_i32 = arith.constant 0 : i32
    %c0_i32_3 = arith.constant 0 : i32
    return %arg0, %c0_i32, %max3A_2 : i32, i32, i32
  }
  func.func @transform_3(%arg0: i32, %arg1: i32) -> (i32, i32, i32) {
    %c0_i32 = arith.constant 0 : i32
    %c0_i32_0 = arith.constant 0 : i32
    return %arg0, %c0_i32, %arg1 : i32, i32, i32
  }
  func.func @transform_4(%arg0: i32, %arg1: i32) -> (i32, i32, i32) {
    %mul3A = arith.constant 16 : i32
    %mul3A_0 = arith.muli %arg1, %mul3A : i32
    %add3A = arith.constant 16 : i32
    %add3A_1 = arith.addi %mul3A_0, %add3A : i32
    %min3A = arith.constant 223 : i32
    %min3A_2 = arith.minsi %add3A_1, %min3A : i32
    %c0_i32 = arith.constant 0 : i32
    %c0_i32_3 = arith.constant 0 : i32
    return %arg0, %c0_i32, %min3A_2 : i32, i32, i32
  }
  func.func @transform_5(%arg0: i32, %arg1: i32) -> (i32, i32, i32, i32) {
    %c0_i32 = arith.constant 0 : i32
    %c0_i32_0 = arith.constant 0 : i32
    %c0_i32_1 = arith.constant 0 : i32
    %c0_i32_2 = arith.constant 0 : i32
    %c0_i32_3 = arith.constant 0 : i32
    return %c0_i32, %c0_i32_0, %c0_i32_1, %c0_i32_2 : i32, i32, i32, i32
  }
  func.func @transform_6(%arg0: i32, %arg1: i32) -> (i32, i32, i32) {
    %c0_i32 = arith.constant 0 : i32
    %c0_i32_0 = arith.constant 0 : i32
    return %arg0, %c0_i32, %arg1 : i32, i32, i32
  }
}

</mosaic_0001>

<sc_bundles>
// kernel: sparse-core-data-format-call.cloned.1.call-start
scs
called_computation_lowered:
.L_overlay_start_0:
0x0: {  	s2 =	sld [smem:$0x3FD9]  }
0x1: {  	s3 =	sld [smem:$0x3FFE];
	_ =	sdelay $0x1  }
0x2: {  	s1 =	srdreg.scid  }
0x3: {  	s0 =	sand.u32 $0x1, s1  }
0x4: {  	s15 =	sshll.u32 s0, $0xA;
	s2 =	sadd.s32 s3, s2  }
0x5: {  	s2 =	sadd.s32 s2, s15  }
0x6: {  	[smem:$0x3FC4] =	sst s2  }
0x7: {  	_ = 	snop  }
0x8: {  	s2 =	sld [smem:$0x3FD0];
	_ =	sdelay $0x2  }
0x9: {  	s16 =	simm.s32 $0xA;
	s4 =	simm.s32 $0x10  }
0xa: {  	[smem:s4], [sflag:s16] =	dma.local [hbm:s2], $0x1  }
0xb: {  	_ =	swait.eq [sflag:s16], $0x1  }
0xc: {  	[sflag:s16] =	ssyncset.done $0x0  }
0xd: {  	[sflag:s16] =	ssyncadd.s32 $0xFFFFFFFF  }
0xe: {  	s17 =	sld [smem:$0x10];
	(tm) =	ssettm $0x1  }
0xf: {  	s18 =	sld [smem:$0x3FFB];
	_ =	sdelay $0x3  }
0x10: {  	_ =	strace s18  }
0x11: {  	s3 =	sld [smem:$0x3FFC];
	_ =	sdelay $0x3  }
0x12: {  	_ =	strace s3  }
0x13: {  	s3 =	sld [smem:$0x3FFD];
	_ =	sdelay $0x3  }
0x14: {  	_ =	strace s3  }
0x15: {  	_ =	strace $0x8FFFFFFF  }
0x16: {  	s19 =	sld [smem:$0x3FDB];
	_ =	sdelay $0x1  }
0x17: {  	s20 =	simm.s32 $_scs_section_size  }
0x18: {  	s5 =	simm.s32 $_size__tile_overlayer_lowered;
	s6 =	simm.s32 $_tile_overlayer_lowered  }
0x19: {  	s23 =	simm.s32 $0x1BFF;
	s22 =	sshll.u32 s6, $0x1;
	s3 =	sadd.s32 s20, s19  }
0x1a: {  	s7 =	simm.s32 $0x0;
	s21 =	sshll.u32 s5, $0x1;
	s5 =	sadd.s32 s22, s3  }
0x1b: {  	[timem:s7], [sflag:s23] =	dma.local [hbm:s5], s21  }
0x1c: {  	_ =	swait.ge [sflag:s23], s21  }
0x1d: {  	s4 =	ssub.s32 $0x0, s21;
	[sflag:s23] =	ssyncset.done $0x0  }
0x1e: {  	[sflag:s23] =	ssyncadd.s32 s4;
	_ =	sdelay $0x1  }
0x1f: {  	s24 =	simm.s32 $0x1B8B  }
0x20: {  	_ =	swait.ge [sflag:s24], $0x1  }
0x21: {  	[sflag:s24] =	ssyncset.done $0x0  }
0x22: {  	s26 =	simm.s32 $0x1B8E;
	s25 =	sld [smem:$0x3FFE];
	[sflag:s24] =	ssyncadd.s32 $0xFFFFFFFF  }
0x23: {  	s27 =	simm.s32 $execute0_lowered;
	[smem:$0x3FD2] =	sst s26  }
0x24: {  	s5 =	sshll.u32 s27, $0x1;
	_ =	strace $0x80000046;
	[dreg:$0x1] =	wrdreg $0xFFFFFFFF  }
0x25: {  	s28 =	simm.s32 $_size_execute0_lowered;
	s3 =	sadd.s32 s3, s5;
	[dreg:$0x0] =	wrdreg $0x0  }
0x26: {  	s5 =	sshll.u32 s28, $0x1;
	[dreg:$0x2] =	wrdreg s3  }
0x27: {  	[dreg:$0x3] =	wrdreg s5  }
0x28: {  	[dreg:$0x4] =	wrdreg $0xC0  }
0x29: {  	_ =	task [dreg:s7], $0x5FFFF  }
0x2a: {  	[dreg:$0x1] =	wrdreg $0xFFFFFFFF  }
0x2b: {  	[dreg:$0x0] =	wrdreg $0x60  }
0x2c: {  	[dreg:$0x2] =	wrdreg s25  }
0x2d: {  	[dreg:$0x3] =	wrdreg s17  }
0x2e: {  	[dreg:$0x4] =	wrdreg $0x9  }
0x2f: {  	_ =	task.clear_ibuf [dreg:s7], $0x5FFFF;
	_ =	strace $0x90000046  }
0x30: {  	s29 =	simm.s32 $0x9;
	_ =	strace $0x80000048  }
0x31: {  	_ =	swait.ge [sflag:s29], $0x1  }
0x32: {  	[sflag:s29] =	ssyncadd.s32 $0xFFFFFFFF  }
0x33: {  	_ =	strace $0x90000048  }
0x34: {  	_ =	sfence  }
0x35: {  	s30 =	sld [smem:$0x0];
	_ =	sdelay $0x2  }
0x36: {  	s31 =	sshll.u32 s1, $0xD;
	s1 =	sshrl.u32 s1, $0x2  }
0x37: {  	s3 =	sand.u32 $0x4000, s31;
	s1 =	sadd.s32 s1, s30  }
0x38: {  	s0 =	sor.u32 s3, s0;
	s1 =	sshll.u32 s1, $0x11  }
0x39: {  	s0 =	sor.u32 s1, s0  }
0x3a: {  	s0 =	sadd.s32 $0x8F2B, s0  }
0x3b: {  	[sflag:s0] =	ssyncadd.remote.s32 $0x1  }
0x3c: {  	_ =	sfence.sel $0xFFFF  }
0x3d: {  	[dreg:$0x0] =	wrdreg $0xFFFFFFFF;
	(pc) =	sbr.abs _section_cstart, $3  }
0x3e: {  	[dreg:$0x1] =	wrdreg $0xFFFFFFFF  }
0x3f: {  	_ =	task.clear_ibuf [dreg:s7], $0x2FFFF;
	_ =	strace $0x9FFFFFFF  }
0x40: {  	(tm) =	ssettm $0x7FFFFFFF  }
0x41: {  	_ =	shalt  }
tec
execute0_lowered:
.L_overlay_start_1:
0x0: {  	(tag) =	ssettag $0x1  }
0x1: {  	s0 =	srdreg.scid;
	s6 =	rddreg [dreg:$0x0]  }
0x2: {  	s3 =	rddreg [dreg:$0x1];
	s1 =	sshll.u32 s0, $0x4  }
0x3: {  	s4 =	simm.s32 $0x1;
	s0 =	stileid.u32;
	s1 =	sand.u32 $0x10, s1  }
0x4: {  	s31 =	simm.s32 $0x2;
	s12 =	simm.s32 $0x0;
	s5 =	sor.u32 s0, s1  }
0x5: {  	s9 =	simm.s32 $0xE000;
	s13 =	simm.s32 $0x0;
	s2 =	sshll.u32 s5, $0x3  }
0x6: {  	s10 =	simm.s32 $0x0;
	s11 =	simm.s32 $0x0;
	s7 =	ssub.s32 $0xE0, s2  }
0x7: {  	s19 =	simm.s32 $0x0;
	s1 =	rddreg [dreg:$0x2];
	p0 =	sgt.s32 s7, $0x0  }
.Ltmp0:
0x8: {  	_ =	strace $0x80000047;
	s7 =	simm.s32 @!p0 $0x0;
	(pc) =	sbr.rel .LBB1_1-.Ltmp0, $4  }
0x9: {  	s8 =	sshll.u32 s5, $0xB;
	[sflag:s4] =	ssyncpa.u1 $0x0;
	s30 =	sand.u32 $0xF8, s7  }
0xa: {  	s5 =	simm.s32 $0x0;
	s6 =	sadd.s32 s8, s6;
	p0 =	seq.s32 s30, $0x0  }
0xb: {  	[sflag:s31] =	ssyncpa.u1 $0x0;
	s8 =	simm.s32 $0x800;
	s5 =	simm.s32 @!p0 $0x18  }
0xc: {  	s6 =	sadd.s32 $0x150600, s6;
	p0 =	por $0x0, $0x0;
	s7 =	sor.u32 $0x1, s5  }
.LBB1_7:
0xd: {  	s14 =	sadd.s32 $0x1, s10  }
0xe: {  	p2 =	sgt.s32 s14, $0x17  }
0xf: {  	s14 =	simm.s32 @p2 $0x0;
	p2 =	sne.s32 s11, s7  }
.Ltmp1:
0x10: {  	p1 =	slt.u32 s11, $0x2;
	(pc) =	sbr.rel @!p2 .LBB1_8-.Ltmp1, $4  }
0x11: {  	s12 =	simm.s32 @!p1 $0x2  }
0x12: {  	s15 =	sadd.s32 $0x1, s11;
	s13 =	smov.u32 s10;
	_ =	swait.ge @!p1 [sflag:s12], $0x4000  }
0x13: {  	p0 =	por !p0, !p0;
	s11 =	smov.u32 s15;
	[sflag:s12] =	ssyncset.done @!p1 $0x0  }
0x14: {  	s10 =	smov.u32 s14;
	[sflag:s12] =	ssyncadd.s32 @!p1 $0xFFFFC000;
	s12 =	smov.u32 s2  }
.LBB1_1:
0x15: {  	p1 =	sge.u32 s11, s5  }
0x16: {  	s14 =	sxor.u32 @!p1 $0xFFFFFFFF, s11;
	s15 =	smul.u32 @!p1 $0xE000, s10  }
0x17: {  	s31 =	sadd.s32 $0xFFFFFFFF, s11;
	s14 =	sshll.u32 @!p1 s14, $0xE  }
0x18: {  	s16 =	simm.s32 @!p1 $0x0;
	s14 =	sand.u32 @!p1 $0x4000, s14;
	s15 =	sadd.s32 @!p1 s15, s6  }
0x19: {  	[tilespmem:s14], [sflag:$0x1] =	stream.linear.gather @!p1 [hbm4b:s15+s16], $0x4000, $0x38;
	[tilespmem:$0x10000] =	vst v63  }
0x1a: {  	p1 =	sge.u32 s31, s5  }
.Ltmp2:
0x1b: {  	_ = 	snop;
	(pc) =	sbr.rel @p1 .LBB1_7-.Ltmp2, $1  }
0x1c: {  	_ =	sdelay $0x3  }
0x1d: {  	s14 =	simm.s32 $0x1  }
0x1e: {  	_ =	swait.ge [sflag:s4], $0x4000;
	s31 =	sshll.u32 s11, $0xE;
	p1 =	por $0x0, $0x0  }
0x1f: {  	s20 =	simm.s32 $0x0;
	s21 =	simm.s32 $0x0;
	s14 =	simm.s32 @!p0 $0x0  }
0x20: {  	[sflag:s4] =	ssyncset.done $0x0;
	s17 =	sand.u32 $0x4000, s31;
	s14 =	sshll.u32 s14, $0x10  }
0x21: {  	[sflag:s4] =	ssyncadd.s32 $0xFFFFC000;
	s18 =	sshrl.u32 s14, $0x2;
	s14 =	sor.u32 $0x8000, s17  }
0x22: {  	s15 =	sor.u32 $0x40, s18;
	s16 =	sor.u32 $0x8410, s18;
	s18 =	sadd.s32 $0x8400, s18  }
.LBB1_3:
0x23: {  	v1 =	vld [tilespmem:s15+$0xFFFFFFD0]  }
0x24: {  	v2 =	vld [tilespmem:s15+$0x430]  }
0x25: {  	s22 =	sshll.u32 s21, $0xB;
	v4 =	vld [tilespmem:s15+$0xFFFFFFE0]  }
0x26: {  	v7 =	vld [tilespmem:s15+$0xFFFFFFF0];
	v0 =	vmov s22  }
0x27: {  	v8 =	vld [tilespmem:s15+$0x0]  }
0x28: {  	s30 =	sand.u32 $0x300, s19;
	v9 =	vld [tilespmem:s15+$0x10]  }
0x29: {  	s23 =	sand.u32 $0x80, s19;
	v10 =	vld [tilespmem:s15+$0x20];
	s22 =	sadd.s32 s30, s17  }
0x2a: {  	v11 =	vld [tilespmem:s15+$0x30];
	s22 =	sadd.s32 s23, s22;
	s23 =	simm.s32 $0x1;
	[tilespmem:s16+$0x60] =	vst v2  }
0x2b: {  	s31 =	sshll.u32 s20, $0x2;
	s23 =	simm.s32 @!p1 $0x0;
	[tilespmem:s16+$0xFFFFFC00] =	vst v1;
	v3 =	vld.idx.msk [tilespmem:v0+s22+$0x400 ss:$0x1], $0xffff  }
0x2c: {  	v6 =	vld [tilespmem:s15+$0x3D0];
	s23 =	sshll.u32 s23, $0x9;
	[tilespmem:s16+$0xFFFFFC10] =	vst v4;
	s22 =	sand.u32 $0xFFFFFC00, s31  }
0x2d: {  	v5 =	vld [tilespmem:s15+$0x3E0];
	[tilespmem:s16+$0xFFFFFC20] =	vst v7;
	s22 =	sor.u32 s23, s22  }
0x2e: {  	[tilespmem:s16+$0xFFFFFC30] =	vst v8;
	v4 =	vld [tilespmem:s15+$0x400];
	s22 =	sshrl.u32 s22, $0x2  }
0x2f: {  	[tilespmem:s16+$0xFFFFFC40] =	vst v9;
	v1 =	vld [tilespmem:s15+$0x410];
	s22 =	sadd.s32 s22, s18  }
0x30: {  	[tilespmem:s22+$0x0] =	vst v3;
	v3 =	vld [tilespmem:s15+$0x3F0]  }
0x31: {  	s26 =	simm.s32 $0x80;
	s25 =	simm.s32 $0x100;
	[tilespmem:s16+$0xFFFFFC50] =	vst v10;
	v2 =	vld [tilespmem:s15+$0x420]  }
0x32: {  	s24 =	smov.u32 s16;
	s27 =	sand.u32 $0x300, s26;
	v7 =	vld [tilespmem:s15+$0xFFFFFFC0];
	[tilespmem:s16+$0xFFFFFC60] =	vst v11;
	s23 =	sadd.s32 $0x80, s15  }
.LBB1_4:
0x33: {  	p2 =	sne.s32 s25, $0x380;
	v8 =	vld [tilespmem:s23+$0xFFFFFFD0];
	s26 =	sand.u32 $0x80, s26;
	s27 =	sadd.s32 s27, s17;
	[tilespmem:s24+$0x0] =	vst v6  }
0x34: {  	s27 =	sadd.s32 s26, s27;
	v6 =	vld [tilespmem:s23+$0x430];
	[tilespmem:s24+$0x10] =	vst v5;
	s26 =	smov.u32 s25  }
0x35: {  	v5 =	vld.idx.msk [tilespmem:v0+s27+$0x400 ss:$0x1], $0xffff;
	[tilespmem:s24+$0x20] =	vst v3  }
0x36: {  	v3 =	vld [tilespmem:s23+$0xFFFFFFE0];
	[tilespmem:s24+$0x30] =	vst v4  }
0x37: {  	v4 =	vld [tilespmem:s23+$0xFFFFFFF0];
	[tilespmem:s24+$0xFFFFFBF0] =	vst v7  }
0x38: {  	v7 =	vld [tilespmem:s23+$0x0];
	[tilespmem:s24+$0x40] =	vst v1  }
0x39: {  	v1 =	vld [tilespmem:s23+$0x10];
	[tilespmem:s24+$0x50] =	vst v2;
	s24 =	sadd.s32 $0x800, s24  }
0x3a: {  	s22 =	sadd.s32 $0x800, s22;
	v2 =	vld [tilespmem:s23+$0x20];
	[tilespmem:s24+$0x60] =	vst v6  }
0x3b: {  	v9 =	vld [tilespmem:s23+$0x30];
	[tilespmem:s22+$0x0] =	vst v5  }
0x3c: {  	[tilespmem:s24+$0xFFFFFC00] =	vst v8;
	v6 =	vld [tilespmem:s23+$0x3D0]  }
0x3d: {  	[tilespmem:s24+$0xFFFFFC10] =	vst v3;
	v5 =	vld [tilespmem:s23+$0x3E0]  }
.Ltmp3:
0x3e: {  	[tilespmem:s24+$0xFFFFFC20] =	vst v4;
	v3 =	vld [tilespmem:s23+$0x3F0];
	(pc) =	sbr.rel @p2 .LBB1_4-.Ltmp3, $4  }
0x3f: {  	[tilespmem:s24+$0xFFFFFC30] =	vst v7;
	v4 =	vld [tilespmem:s23+$0x400]  }
0x40: {  	[tilespmem:s24+$0xFFFFFC40] =	vst v1;
	v1 =	vld [tilespmem:s23+$0x410]  }
0x41: {  	[tilespmem:s24+$0xFFFFFC50] =	vst v2;
	v2 =	vld [tilespmem:s23+$0x420]  }
0x42: {  	s25 =	sadd.s32 $0x80, s25;
	s27 =	sand.u32 $0x300, s26;
	v7 =	vld [tilespmem:s23+$0xFFFFFFC0];
	[tilespmem:s24+$0xFFFFFC60] =	vst v9;
	s23 =	sadd.s32 $0x80, s23  }
0x43: {  	[tilespmem:s24+$0x0] =	vst v6  }
0x44: {  	[tilespmem:s24+$0x10] =	vst v5  }
0x45: {  	v49 =	vld [tilespmem:s23+$0x430];
	[tilespmem:s24+$0x20] =	vst v3  }
0x46: {  	v50 =	vld [tilespmem:s23+$0xFFFFFFD0];
	[tilespmem:s24+$0x30] =	vst v4  }
0x47: {  	v51 =	vld [tilespmem:s23+$0xFFFFFFE0];
	[tilespmem:s24+$0x40] =	vst v1  }
0x48: {  	v52 =	vld [tilespmem:s23+$0xFFFFFFF0];
	[tilespmem:s24+$0x50] =	vst v2  }
0x49: {  	s31 =	sadd.s32 $0x800, s24;
	v53 =	vld [tilespmem:s23+$0x0];
	[tilespmem:s24+$0xFFFFFBF0] =	vst v7  }
0x4a: {  	v54 =	vld [tilespmem:s23+$0x10];
	[tilespmem:s31+$0x60] =	vst v49  }
0x4b: {  	v55 =	vld [tilespmem:s23+$0x20];
	[tilespmem:s31+$0xFFFFFC00] =	vst v50  }
0x4c: {  	v56 =	vld [tilespmem:s23+$0x30];
	[tilespmem:s31+$0xFFFFFC10] =	vst v51  }
0x4d: {  	v57 =	vld [tilespmem:s23+$0x3D0];
	[tilespmem:s31+$0xFFFFFC20] =	vst v52  }
0x4e: {  	v58 =	vld [tilespmem:s23+$0x3E0];
	[tilespmem:s31+$0xFFFFFC30] =	vst v53  }
0x4f: {  	v59 =	vld [tilespmem:s23+$0x3F0];
	[tilespmem:s31+$0xFFFFFC40] =	vst v54  }
0x50: {  	v60 =	vld [tilespmem:s23+$0x400];
	[tilespmem:s31+$0xFFFFFC50] =	vst v55  }
0x51: {  	v61 =	vld [tilespmem:s23+$0xFFFFFFC0];
	[tilespmem:s31+$0xFFFFFC60] =	vst v56  }
0x52: {  	s25 =	sand.u32 $0x80, s26;
	s30 =	sadd.s32 s27, s17;
	v62 =	vld [tilespmem:s23+$0x410];
	[tilespmem:s31+$0x0] =	vst v57  }
0x53: {  	v63 =	vld [tilespmem:s23+$0x420];
	s21 =	sadd.s32 $0x1, s21;
	s25 =	sadd.s32 s25, s30;
	[tilespmem:s31+$0x10] =	vst v58  }
0x54: {  	p2 =	sne.s32 s21, $0x8;
	v0 =	vld.idx.msk [tilespmem:v0+s25+$0x400 ss:$0x1], $0xffff;
	[tilespmem:s31+$0x20] =	vst v59  }
.Ltmp4:
0x55: {  	[tilespmem:s31+$0x30] =	vst v60;
	(pc) =	sbr.rel @p2 .LBB1_3-.Ltmp4, $4  }
0x56: {  	[tilespmem:s31+$0xFFFFFBF0] =	vst v61  }
0x57: {  	[tilespmem:s31+$0x40] =	vst v62  }
0x58: {  	s22 =	sadd.s32 $0x800, s22;
	s15 =	sadd.s32 $0x800, s15;
	[tilespmem:s31+$0x50] =	vst v63  }
0x59: {  	s20 =	sadd.s32 $0x80, s20;
	p1 =	por !p1, !p1;
	s16 =	sadd.s32 $0x80, s16;
	[tilespmem:s22+$0x0] =	vst v0  }
0x5a: {  	s15 =	sshrl.u32 s12, $0x5  }
0x5b: {  	s15 =	smulhi.u32 $0x24924925, s15  }
0x5c: {  	s13 =	smul.u32 $0xE000, s13  }
0x5d: {  	s15 =	smul.u32 $0xE0, s15  }
.Ltmp5:
0x5e: {  	_ = 	snop;
	(pc) =	sbr.rel .LBB1_7-.Ltmp5, $4  }
0x5f: {  	s31 =	ssub.s32 s12, s15  }
0x60: {  	s13 =	sadd.s32 s3, s13;
	s12 =	sshll.u32 s31, $0x5  }
0x61: {  	s12 =	sadd.s32 s12, s13  }
0x62: {  	[hbm4b:s12+s8] =	stream.strided.scatter [tilespmem:s14], [sflag:$0x2], $0x4000, s9, s8, $0x38;
	[tilespmem:$0x10000] =	vst v63  }
.LBB1_8:
0x63: {  	_ =	sfence.sel $0x180000  }
0x64: {  	s2 =	simm.s32 $0x1;
	[bflag:$0x0] =	sbarrier.arrive $0xFFFF  }
0x65: {  	s31 =	simm.s32 $0x2;
	[sflag:s2] =	ssyncpa.u1 $0x1  }
0x66: {  	[sflag:s31] =	ssyncpa.u1 $0x1  }
0x67: {  	p0 =	sne.s32 s0, $0x0;
	_ =	strace $0x90000047  }
0x68: {  	s0 =	sadd.s32 @!p0 $0x100000, s1;
	[bflag:$0x2] =	sbarrier.arrive $0xFFFF  }
0x69: {  	[sflag:s0] =	ssyncadd.tile.s32 @!p0 $0x1;
	_ =	shalt  }
.Lfunc_end1:
_tile_overlayer_lowered:
.L_overlay_start_2:
0x6a: {  	(tag) =	ssettag $0x2  }
0x6b: {  	s0 =	rddreg [dreg:$0x0];
	s2 =	stileid.u32  }
0x6c: {  	s1 =	rddreg [dreg:$0x1];
	p0 =	sne.s32 s2, $0x0  }
0x6d: {  	s3 =	rddreg [dreg:$0x2];
	[bflag:$0x3] =	sbarrier.arrive $0xFFFF;
	s2 =	simm.s32 @!p0 $0x1C01  }
0x6e: {  	[timem:s3], [sflag:s2] =	dma.local @!p0 [hbm:s0], s1  }
0x6f: {  	s0 =	simm.s32 @!p0 $0x1  }
0x70: {  	_ =	swait.ge @!p0 [sflag:s0], s1  }
0x71: {  	s1 =	ssub.s32 @!p0 $0x0, s1;
	[sflag:s0] =	ssyncset.done @!p0 $0x0  }
0x72: {  	[sflag:s0] =	ssyncadd.s32 @!p0 s1  }
0x73: {  	[bflag:$0x3] =	sbarrier.arrive $0xFFFF  }
0x74: {  	_ =	shalt  }

</sc_bundles>
